<compile_context>
chip_gen: v7x
topology: tpu7x:2x2x1
jax: 0.10.2.dev20260603
libtpu: 0.0.44.dev20260713+nightly
codegen_flags: <defaults>
</compile_context>

<pallas_src>
import functools

import jax
import jax.numpy as jnp
from jax import lax
from jax.experimental import pallas as pl
from jax.experimental.pallas import tpu as pltpu
from jax.experimental.pallas import tpu_sc as plsc

_NUM_PROJS = 16
_HPB = 4


def _pack_body(mat_ref, proj_ref, out_ref):
    x = mat_ref[0]
    p = proj_ref[0]
    y = jax.lax.dot_general(
        p, x, (((1,), (2,)), ((0,), (0,))),
        preferred_element_type=jnp.float32,
    )
    bits = (y > 0).astype(jnp.int32)
    enc = jnp.left_shift(
        jnp.int32(1),
        jax.lax.broadcasted_iota(jnp.int32, (1, _NUM_PROJS, 1), 1),
    )
    out_ref[0] = jnp.sum(bits * enc, axis=1)


def _tc_bucket_ids(mat, proj_dir):
    B, H, S, D = mat.shape
    grid = (B * H) // _HPB
    n_proj_grp = H // _HPB
    mat_r = mat.reshape(grid, _HPB, S, D)
    proj_r = proj_dir.reshape(n_proj_grp, _HPB, D, _NUM_PROJS)
    out = pl.pallas_call(
        _pack_body,
        grid=(grid,),
        in_specs=[
            pl.BlockSpec((1, _HPB, S, D), lambda i: (i, 0, 0, 0)),
            pl.BlockSpec((1, _HPB, D, _NUM_PROJS),
                         lambda i: (i % n_proj_grp, 0, 0, 0)),
        ],
        out_specs=pl.BlockSpec((1, _HPB, S), lambda i: (i, 0, 0)),
        out_shape=jax.ShapeDtypeStruct((grid, _HPB, S), jnp.int32),
    )(mat_r, proj_r)
    return out.reshape(B * H * S)


def _sc_perm_gather(table_hi, table_lo, idx):
    n = idx.shape[0]
    info = plsc.get_sparse_core_info()
    nw = info.num_cores * info.num_subcores
    nl = info.num_lanes
    bpw = n // nw
    mesh = plsc.VectorSubcoreMesh(core_axis_name="c", subcore_axis_name="s")

    @functools.partial(
        pl.kernel,
        out_type=jax.ShapeDtypeStruct((n,), jnp.int32),
        mesh=mesh,
        compiler_params=pltpu.CompilerParams(needs_layout_passes=False),
        scratch_types=[
            pltpu.VMEM((table_hi.shape[0],), jnp.int32),
            pltpu.VMEM((table_lo.shape[0],), jnp.int32),
            pltpu.VMEM((bpw,), jnp.int32),
            pltpu.VMEM((bpw,), jnp.int32),
            pltpu.SemaphoreType.DMA,
        ],
    )
    def k(thi_hbm, tlo_hbm, idx_hbm, out_hbm, thi_v, tlo_v, idx_v, rows_v,
          sem):
        wid = lax.axis_index("s") * info.num_cores + lax.axis_index("c")
        base = wid * bpw
        cp_hi = pltpu.async_copy(thi_hbm, thi_v, sem)
        cp_lo = pltpu.async_copy(tlo_hbm, tlo_v, sem)
        pltpu.sync_copy(idx_hbm.at[pl.ds(base, bpw)], idx_v)
        cp_hi.wait()
        cp_lo.wait()

        unroll = 4

        def body(j, carry):
            for u in range(unroll):
                off = (j * unroll + u) * nl
                iv = idx_v[pl.ds(off, nl)]
                hi = plsc.load_gather(thi_v, [jnp.right_shift(iv, 8)])
                lo = plsc.load_gather(tlo_v, [jnp.bitwise_and(iv, 0x1FF)])
                rows_v[pl.ds(off, nl)] = jnp.bitwise_or(hi, lo)
            return carry

        lax.fori_loop(0, bpw // (nl * unroll), body, 0)
        pltpu.sync_copy(rows_v, out_hbm.at[pl.ds(base, bpw)])

    return k(table_hi, table_lo, idx)


def kernel(mat, proj_dir):
    B, H, S, _ = mat.shape
    bin_ids = _tc_bucket_ids(mat, proj_dir)
    i8 = jnp.arange(256, dtype=jnp.int32)
    table_hi = jnp.left_shift(i8 ^ (i8 >> 1), 8)
    i9 = jnp.arange(512, dtype=jnp.int32)
    table_lo = jnp.bitwise_and(i9 ^ (i9 >> 1), 0xFF)
    out = _sc_perm_gather(table_hi, table_lo, bin_ids)
    return out.reshape(B, H, S)

# --- scband reference (transcript-rebuilt; emitter-appended) ---
"""Pipeline reference for scband-angular-lsh-74775380623856 (READ-ONLY COPY).

The authoritative reference and input builder live on the scoring server;
editing this copy changes nothing except your own understanding.
"""

import jax, jax.numpy as jnp
import numpy as np

NUM_PROJS = 16


def _unit_hamming_distance_array(size_n):
    if size_n == 1:
        return jnp.arange(2)
    a = _unit_hamming_distance_array(size_n - 1)
    return jnp.concatenate((a, jnp.flip(a) + 2 ** (size_n - 1)))


def setup_inputs(seed: int = 0) -> dict:
    key = jax.random.key(seed)
    k1, k2 = jax.random.split(key)
    mat = jax.random.normal(k1, (2, 16, 4096, 128), dtype=jnp.float32)
    # learned/buffered projection directions: dim + (num_projs,) = (1, 16, 128, 16)
    proj_dir = jax.random.normal(k2, (1, 16, 128, NUM_PROJS), dtype=jnp.float32)
    return {"mat": mat, "proj_dir": proj_dir}


def reference(mat, proj_dir):
    num_projs = proj_dir.shape[-1]
    perm = _unit_hamming_distance_array(num_projs)
    enc_vec = (2 ** jnp.arange(num_projs)).reshape(1, 1, 1, num_projs)
    mask = jnp.matmul(mat, proj_dir)
    mask = mask > 0
    bin_ids = (mask * enc_vec).sum(-1)
    return perm[bin_ids]

if __name__ == "__main__":
    import jax
    _d = setup_inputs()
    print(jax.jit(kernel)(*tuple(_d.values())))

</pallas_src>

<mosaic_0001>
#map = affine_map<(d0, d1) -> (0)>
module attributes {stable_mosaic.version = 14 : i64} {
  func.func @k(%arg0: i32, %arg1: i32, %arg2: memref<256xi32, #tpu.memory_space<hbm>>, %arg3: memref<512xi32, #tpu.memory_space<hbm>>, %arg4: memref<131072xi32, #tpu.memory_space<hbm>>, %arg5: memref<131072xi32, #tpu.memory_space<hbm>>, %arg6: memref<256xi32, #tpu.memory_space<vmem>>, %arg7: memref<512xi32, #tpu.memory_space<vmem>>, %arg8: memref<4096xi32, #tpu.memory_space<vmem>>, %arg9: memref<4096xi32, #tpu.memory_space<vmem>>, %arg10: memref<!tpu.dma_semaphore, #tpu.memory_space<semaphore_mem>>) attributes {dimension_semantics = [#tpu.dimension_semantics<core_parallel>, #tpu.dimension_semantics<subcore_parallel>], iteration_bounds = array<i64: 2, 16>, scalar_prefetch = 0 : i64, scratch_operands = 5 : i64, tpu.core_type = #tpu.core_type<sc_vector_subcore>, window_params = [{transform_indices = #map}, {transform_indices = #map}, {transform_indices = #map}, {transform_indices = #map}]} {
    %mul3A = arith.constant 2 : i32
    %mul3A_0 = arith.muli %arg1, %mul3A : i32
    %add3A = arith.addi %mul3A_0, %arg0 : i32
    %mul3A_1 = arith.constant 4096 : i32
    %mul3A_2 = arith.muli %add3A, %mul3A_1 : i32
    tpu.enqueue_dma source(%arg2 : memref<256xi32, #tpu.memory_space<hbm>>) target(%arg6 : memref<256xi32, #tpu.memory_space<vmem>>) target_semaphore(%arg10 : memref<!tpu.dma_semaphore, #tpu.memory_space<semaphore_mem>>)
    tpu.enqueue_dma source(%arg3 : memref<512xi32, #tpu.memory_space<hbm>>) target(%arg7 : memref<512xi32, #tpu.memory_space<vmem>>) target_semaphore(%arg10 : memref<!tpu.dma_semaphore, #tpu.memory_space<semaphore_mem>>)
    "tpu.region"() ({
      %run_scoped3A = tpu.sem_alloc : memref<!tpu.dma_semaphore, #tpu.memory_space<semaphore_mem>>
      %dma_start3A = tpu.memref_slice %arg4[%mul3A_2] : memref<131072xi32, #tpu.memory_space<hbm>> -> memref<4096xi32, #tpu.memory_space<hbm>>
      %dma_start3A_8 = tpu.memref_slice %arg4[%mul3A_2] : memref<131072xi32, #tpu.memory_space<hbm>> -> memref<4096xi32, #tpu.memory_space<hbm>>
      tpu.enqueue_dma source(%dma_start3A_8 : memref<4096xi32, #tpu.memory_space<hbm>>) target(%arg8 : memref<4096xi32, #tpu.memory_space<vmem>>) target_semaphore(%run_scoped3A : memref<!tpu.dma_semaphore, #tpu.memory_space<semaphore_mem>>)
      %dma_wait3A = tpu.memref_slice %arg4[%mul3A_2] : memref<131072xi32, #tpu.memory_space<hbm>> -> memref<4096xi32, #tpu.memory_space<hbm>>
      %dma_wait3A_9 = tpu.memref_slice %arg4[%mul3A_2] : memref<131072xi32, #tpu.memory_space<hbm>> -> memref<4096xi32, #tpu.memory_space<hbm>>
      tpu.wait_dma2 semaphore(%run_scoped3A : memref<!tpu.dma_semaphore, #tpu.memory_space<semaphore_mem>>) src(%dma_wait3A_9 : memref<4096xi32, #tpu.memory_space<hbm>>) dst(%arg8 : memref<4096xi32, #tpu.memory_space<vmem>>)
      tpu.yield
    }) : () -> ()
    tpu.wait_dma2 semaphore(%arg10 : memref<!tpu.dma_semaphore, #tpu.memory_space<semaphore_mem>>) src(%arg2 : memref<256xi32, #tpu.memory_space<hbm>>) dst(%arg6 : memref<256xi32, #tpu.memory_space<vmem>>)
    tpu.wait_dma2 semaphore(%arg10 : memref<!tpu.dma_semaphore, #tpu.memory_space<semaphore_mem>>) src(%arg3 : memref<512xi32, #tpu.memory_space<hbm>>) dst(%arg7 : memref<512xi32, #tpu.memory_space<vmem>>)
    %scan3A = arith.constant 0 : i32
    %scan3A_3 = arith.constant 0 : i32
    %scan3A_4 = arith.constant 64 : i32
    %scan3A_5 = arith.addi %scan3A_3, %scan3A_4 : i32
    %scan3A_6 = arith.constant 1 : i32
    scf.for %scan3A_8 = %scan3A_3 to %scan3A_5 step %scan3A_6  : i32 {
      %mul3A_9 = arith.constant 4 : i32
      %mul3A_10 = arith.muli %scan3A_8, %mul3A_9 : i32
      %add3A_11 = arith.constant 0 : i32
      %add3A_12 = arith.addi %mul3A_10, %add3A_11 : i32
      %mul3A_13 = arith.constant 16 : i32
      %mul3A_14 = arith.muli %add3A_12, %mul3A_13 : i32
      %get3A = arith.index_cast %mul3A_14 : i32 to index
      %get3A_15 = tpu.vector_load %arg8[%get3A] {strides = array<i32>} : memref<4096xi32, #tpu.memory_space<vmem>>, vector<16xi32>,
      %shift_right_arithmetic3A = arith.constant 8 : i32
      %shift_right_arithmetic3A_16 = vector.broadcast %shift_right_arithmetic3A : i32 to vector<16xi32>
      %shift_right_arithmetic3A_17 = arith.shrsi %get3A_15, %shift_right_arithmetic3A_16 : vector<16xi32>
      %gather3A = tpu.vector_load_idx %arg6[%shift_right_arithmetic3A_17] : memref<256xi32, #tpu.memory_space<vmem>>[vector<16xi32>], vector<16xi32>,
      %and3A = arith.constant 511 : i32
      %and3A_18 = vector.broadcast %and3A : i32 to vector<16xi32>
      %and3A_19 = arith.andi %get3A_15, %and3A_18 : vector<16xi32>
      %gather3A_20 = tpu.vector_load_idx %arg7[%and3A_19] : memref<512xi32, #tpu.memory_space<vmem>>[vector<16xi32>], vector<16xi32>,
      %or3A = arith.ori %gather3A, %gather3A_20 : vector<16xi32>
      %swap3A = arith.index_cast %mul3A_14 : i32 to index
      %swap3A_21 = tpu.vector_load %arg9[%swap3A] {strides = array<i32>} : memref<4096xi32, #tpu.memory_space<vmem>>, vector<16xi32>,
      tpu.vector_store %arg9[%swap3A], %or3A {strides = array<i32>} : memref<4096xi32, #tpu.memory_space<vmem>>, vector<16xi32>,
      %mul3A_22 = arith.constant 4 : i32
      %mul3A_23 = arith.muli %scan3A_8, %mul3A_22 : i32
      %add3A_24 = arith.constant 1 : i32
      %add3A_25 = arith.addi %mul3A_23, %add3A_24 : i32
      %mul3A_26 = arith.constant 16 : i32
      %mul3A_27 = arith.muli %add3A_25, %mul3A_26 : i32
      %get3A_28 = arith.index_cast %mul3A_27 : i32 to index
      %get3A_29 = tpu.vector_load %arg8[%get3A_28] {strides = array<i32>} : memref<4096xi32, #tpu.memory_space<vmem>>, vector<16xi32>,
      %shift_right_arithmetic3A_30 = arith.constant 8 : i32
      %shift_right_arithmetic3A_31 = vector.broadcast %shift_right_arithmetic3A_30 : i32 to vector<16xi32>
      %shift_right_arithmetic3A_32 = arith.shrsi %get3A_29, %shift_right_arithmetic3A_31 : vector<16xi32>
      %gather3A_33 = tpu.vector_load_idx %arg6[%shift_right_arithmetic3A_32] : memref<256xi32, #tpu.memory_space<vmem>>[vector<16xi32>], vector<16xi32>,
      %and3A_34 = arith.constant 511 : i32
      %and3A_35 = vector.broadcast %and3A_34 : i32 to vector<16xi32>
      %and3A_36 = arith.andi %get3A_29, %and3A_35 : vector<16xi32>
      %gather3A_37 = tpu.vector_load_idx %arg7[%and3A_36] : memref<512xi32, #tpu.memory_space<vmem>>[vector<16xi32>], vector<16xi32>,
      %or3A_38 = arith.ori %gather3A_33, %gather3A_37 : vector<16xi32>
      %swap3A_39 = arith.index_cast %mul3A_27 : i32 to index
      %swap3A_40 = tpu.vector_load %arg9[%swap3A_39] {strides = array<i32>} : memref<4096xi32, #tpu.memory_space<vmem>>, vector<16xi32>,
      tpu.vector_store %arg9[%swap3A_39], %or3A_38 {strides = array<i32>} : memref<4096xi32, #tpu.memory_space<vmem>>, vector<16xi32>,
      %mul3A_41 = arith.constant 4 : i32
      %mul3A_42 = arith.muli %scan3A_8, %mul3A_41 : i32
      %add3A_43 = arith.constant 2 : i32
      %add3A_44 = arith.addi %mul3A_42, %add3A_43 : i32
      %mul3A_45 = arith.constant 16 : i32
      %mul3A_46 = arith.muli %add3A_44, %mul3A_45 : i32
      %get3A_47 = arith.index_cast %mul3A_46 : i32 to index
      %get3A_48 = tpu.vector_load %arg8[%get3A_47] {strides = array<i32>} : memref<4096xi32, #tpu.memory_space<vmem>>, vector<16xi32>,
      %shift_right_arithmetic3A_49 = arith.constant 8 : i32
      %shift_right_arithmetic3A_50 = vector.broadcast %shift_right_arithmetic3A_49 : i32 to vector<16xi32>
      %shift_right_arithmetic3A_51 = arith.shrsi %get3A_48, %shift_right_arithmetic3A_50 : vector<16xi32>
      %gather3A_52 = tpu.vector_load_idx %arg6[%shift_right_arithmetic3A_51] : memref<256xi32, #tpu.memory_space<vmem>>[vector<16xi32>], vector<16xi32>,
      %and3A_53 = arith.constant 511 : i32
      %and3A_54 = vector.broadcast %and3A_53 : i32 to vector<16xi32>
      %and3A_55 = arith.andi %get3A_48, %and3A_54 : vector<16xi32>
      %gather3A_56 = tpu.vector_load_idx %arg7[%and3A_55] : memref<512xi32, #tpu.memory_space<vmem>>[vector<16xi32>], vector<16xi32>,
      %or3A_57 = arith.ori %gather3A_52, %gather3A_56 : vector<16xi32>
      %swap3A_58 = arith.index_cast %mul3A_46 : i32 to index
      %swap3A_59 = tpu.vector_load %arg9[%swap3A_58] {strides = array<i32>} : memref<4096xi32, #tpu.memory_space<vmem>>, vector<16xi32>,
      tpu.vector_store %arg9[%swap3A_58], %or3A_57 {strides = array<i32>} : memref<4096xi32, #tpu.memory_space<vmem>>, vector<16xi32>,
      %mul3A_60 = arith.constant 4 : i32
      %mul3A_61 = arith.muli %scan3A_8, %mul3A_60 : i32
      %add3A_62 = arith.constant 3 : i32
      %add3A_63 = arith.addi %mul3A_61, %add3A_62 : i32
      %mul3A_64 = arith.constant 16 : i32
      %mul3A_65 = arith.muli %add3A_63, %mul3A_64 : i32
      %get3A_66 = arith.index_cast %mul3A_65 : i32 to index
      %get3A_67 = tpu.vector_load %arg8[%get3A_66] {strides = array<i32>} : memref<4096xi32, #tpu.memory_space<vmem>>, vector<16xi32>,
      %shift_right_arithmetic3A_68 = arith.constant 8 : i32
      %shift_right_arithmetic3A_69 = vector.broadcast %shift_right_arithmetic3A_68 : i32 to vector<16xi32>
      %shift_right_arithmetic3A_70 = arith.shrsi %get3A_67, %shift_right_arithmetic3A_69 : vector<16xi32>
      %gather3A_71 = tpu.vector_load_idx %arg6[%shift_right_arithmetic3A_70] : memref<256xi32, #tpu.memory_space<vmem>>[vector<16xi32>], vector<16xi32>,
      %and3A_72 = arith.constant 511 : i32
      %and3A_73 = vector.broadcast %and3A_72 : i32 to vector<16xi32>
      %and3A_74 = arith.andi %get3A_67, %and3A_73 : vector<16xi32>
      %gather3A_75 = tpu.vector_load_idx %arg7[%and3A_74] : memref<512xi32, #tpu.memory_space<vmem>>[vector<16xi32>], vector<16xi32>,
      %or3A_76 = arith.ori %gather3A_71, %gather3A_75 : vector<16xi32>
      %swap3A_77 = arith.index_cast %mul3A_65 : i32 to index
      %swap3A_78 = tpu.vector_load %arg9[%swap3A_77] {strides = array<i32>} : memref<4096xi32, #tpu.memory_space<vmem>>, vector<16xi32>,
      tpu.vector_store %arg9[%swap3A_77], %or3A_76 {strides = array<i32>} : memref<4096xi32, #tpu.memory_space<vmem>>, vector<16xi32>,
    }
    %scan3A_7 = arith.constant 64 : i32
    "tpu.region"() ({
      %run_scoped3A = tpu.sem_alloc : memref<!tpu.dma_semaphore, #tpu.memory_space<semaphore_mem>>
      %dma_start3A = tpu.memref_slice %arg5[%mul3A_2] : memref<131072xi32, #tpu.memory_space<hbm>> -> memref<4096xi32, #tpu.memory_space<hbm>>
      %dma_start3A_8 = tpu.memref_slice %arg5[%mul3A_2] : memref<131072xi32, #tpu.memory_space<hbm>> -> memref<4096xi32, #tpu.memory_space<hbm>>
      tpu.enqueue_dma source(%arg9 : memref<4096xi32, #tpu.memory_space<vmem>>) target(%dma_start3A_8 : memref<4096xi32, #tpu.memory_space<hbm>>) target_semaphore(%run_scoped3A : memref<!tpu.dma_semaphore, #tpu.memory_space<semaphore_mem>>)
      %dma_wait3A = tpu.memref_slice %arg5[%mul3A_2] : memref<131072xi32, #tpu.memory_space<hbm>> -> memref<4096xi32, #tpu.memory_space<hbm>>
      %dma_wait3A_9 = tpu.memref_slice %arg5[%mul3A_2] : memref<131072xi32, #tpu.memory_space<hbm>> -> memref<4096xi32, #tpu.memory_space<hbm>>
      tpu.wait_dma2 semaphore(%run_scoped3A : memref<!tpu.dma_semaphore, #tpu.memory_space<semaphore_mem>>) src(%arg9 : memref<4096xi32, #tpu.memory_space<vmem>>) dst(%dma_wait3A_9 : memref<4096xi32, #tpu.memory_space<hbm>>)
      tpu.yield
    }) : () -> ()
    return
  }
}

module attributes {stable_mosaic.version = 14 : i64} {
  func.func @_pack_body(%arg0: i32, %arg1: memref<1x4x4096x128xf32, #tpu.memory_space<vmem>>, %arg2: memref<1x4x128x16xf32, #tpu.memory_space<vmem>>, %arg3: memref<1x4x4096xi32, #tpu.memory_space<vmem>>) attributes {dimension_semantics = [#tpu.dimension_semantics<arbitrary>], iteration_bounds = array<i64: 8>, scalar_prefetch = 0 : i64, scratch_operands = 0 : i64, tpu.core_type = #tpu.core_type<tc>, window_params = [{transform_indices = @transform_0, window_bounds = array<i64: 1, 4, 4096, 128>}, {transform_indices = @transform_1, window_bounds = array<i64: 1, 4, 128, 16>}, {transform_indices = @transform_2, window_bounds = array<i64: 1, 4, 4096>}]} {
    %get3A = arith.constant 0 : index
    %get3A_0 = arith.constant 0 : index
    %get3A_1 = arith.constant 0 : index
    %get3A_2 = arith.constant 0 : index
    %get3A_3 = vector.load %arg1[%get3A, %get3A_0, %get3A_1, %get3A_2] : memref<1x4x4096x128xf32, #tpu.memory_space<vmem>>, vector<1x4x4096x128xf32>
    %get3A_4 = vector.shape_cast %get3A_3 : vector<1x4x4096x128xf32> to vector<4x4096x128xf32>
    %get3A_5 = arith.constant 0 : index
    %get3A_6 = arith.constant 0 : index
    %get3A_7 = arith.constant 0 : index
    %get3A_8 = arith.constant 0 : index
    %get3A_9 = vector.load %arg2[%get3A_5, %get3A_6, %get3A_7, %get3A_8] : memref<1x4x128x16xf32, #tpu.memory_space<vmem>>, vector<1x4x128x16xf32>
    %get3A_10 = vector.shape_cast %get3A_9 : vector<1x4x128x16xf32> to vector<4x128x16xf32>
    %dot_general3A = arith.constant dense<0.000000e+00> : vector<4x16x4096xf32>
    %dot_general3A_11 = tpu.matmul %get3A_10, %get3A_4, %dot_general3A {dimension_numbers = #tpu.dot_dimension_numbers<[1], [2], [2], [1], [0, 0, 0, 2, 1, 1], [0], [0]>, transpose_lhs_hint = false} : vector<4x128x16xf32>, vector<4x4096x128xf32>, vector<4x16x4096xf32> -> vector<4x16x4096xf32>
    %gt3A = arith.constant 0.000000e+00 : f32
    %gt3A_12 = vector.broadcast %gt3A : f32 to vector<4x16x4096xf32>
    %gt3A_13 = arith.cmpf ogt, %dot_general3A_11, %gt3A_12 : vector<4x16x4096xf32>
    %convert_element_type3A = arith.extui %gt3A_13 : vector<4x16x4096xi1> to vector<4x16x4096xi32>
    %iota3A = tpu.iota {dimensions = array<i32: 1>} : vector<1x16x1xi32>
    %shift_left3A = arith.constant 1 : i32
    %shift_left3A_14 = vector.broadcast %shift_left3A : i32 to vector<1x16x1xi32>
    %shift_left3A_15 = arith.shli %shift_left3A_14, %iota3A : vector<1x16x1xi32>
    %mul3A = vector.broadcast %shift_left3A_15 : vector<1x16x1xi32> to vector<4x16x4096xi32>
    %mul3A_16 = arith.muli %convert_element_type3A, %mul3A : vector<4x16x4096xi32>
    %reduce_sum3A = arith.constant dense<0> : vector<4x4096xi32>
    %reduce_sum3A_17 = vector.multi_reduction <add>, %mul3A_16, %reduce_sum3A [1] : vector<4x16x4096xi32> to vector<4x4096xi32>
    %swap3A = arith.constant 0 : index
    %swap3A_18 = arith.constant 0 : index
    %swap3A_19 = arith.constant 0 : index
    %swap3A_20 = vector.load %arg3[%swap3A, %swap3A_18, %swap3A_19] : memref<1x4x4096xi32, #tpu.memory_space<vmem>>, vector<1x4x4096xi32>
    %swap3A_21 = vector.shape_cast %swap3A_20 : vector<1x4x4096xi32> to vector<4x4096xi32>
    %swap3A_22 = vector.shape_cast %reduce_sum3A_17 : vector<4x4096xi32> to vector<1x4x4096xi32>
    tpu.vector_store %arg3[%swap3A, %swap3A_18, %swap3A_19], %swap3A_22 {strides = array<i32>} : memref<1x4x4096xi32, #tpu.memory_space<vmem>>, vector<1x4x4096xi32>,
    return
  }
  func.func @transform_0(%arg0: i32) -> (i32, i32, i32, i32) {
    %c0_i32 = arith.constant 0 : i32
    %c0_i32_0 = arith.constant 0 : i32
    %c0_i32_1 = arith.constant 0 : i32
    %c0_i32_2 = arith.constant 0 : i32
    return %arg0, %c0_i32, %c0_i32_0, %c0_i32_1 : i32, i32, i32, i32
  }
  func.func @transform_1(%arg0: i32) -> (i32, i32, i32, i32) {
    %jit3A = arith.constant 4 : i32
    %eq3A = arith.constant 0 : i32
    %eq3A_0 = arith.cmpi eq, %jit3A, %eq3A : i32
    %jit3A_1 = arith.constant 1 : i32
    %select_n3A = arith.select %eq3A_0, %jit3A_1, %jit3A : i32
    %rem3A = arith.remsi %arg0, %select_n3A : i32
    %ne3A = arith.constant 0 : i32
    %ne3A_2 = arith.cmpi ne, %rem3A, %ne3A : i32
    %lt3A = arith.constant 0 : i32
    %lt3A_3 = arith.cmpi slt, %rem3A, %lt3A : i32
    %lt3A_4 = arith.constant 0 : i32
    %lt3A_5 = arith.cmpi slt, %select_n3A, %lt3A_4 : i32
    %ne3A_6 = arith.xori %lt3A_3, %lt3A_5 : i1
    %and3A = arith.andi %ne3A_6, %ne3A_2 : i1
    %add3A = arith.addi %rem3A, %select_n3A : i32
    %select_n3A_7 = arith.select %and3A, %add3A, %rem3A : i32
    %c0_i32 = arith.constant 0 : i32
    %c0_i32_8 = arith.constant 0 : i32
    %c0_i32_9 = arith.constant 0 : i32
    %c0_i32_10 = arith.constant 0 : i32
    return %select_n3A_7, %c0_i32, %c0_i32_8, %c0_i32_9 : i32, i32, i32, i32
  }
  func.func @transform_2(%arg0: i32) -> (i32, i32, i32) {
    %c0_i32 = arith.constant 0 : i32
    %c0_i32_0 = arith.constant 0 : i32
    %c0_i32_1 = arith.constant 0 : i32
    return %arg0, %c0_i32, %c0_i32_0 : i32, i32, i32
  }
}

</mosaic_0001>

<sc_bundles>
// kernel: kernel.4.cloned.1.call-start
scs
__scs_entry_jumppad:
0x0: {  	(pc) =	sbr.rel $0x88, $3  }
0x1: {  	(tag) =	ssettag $0x0;
	lr =	simm.s32 $0x1  }
0x2: {  	[smem:$0x3F9F] =	sst lr;
	_ =	strace $0xD0000000  }
0x3: {  	_ = 	snop  }
0x4: {  	_ = 	snop  }
0x5: {  	_ = 	snop  }
0x6: {  	_ = 	snop  }
0x7: {  	_ = 	snop  }
__scs_overlays_trampoline_lowered:
0x8: {  	[smem:$0x3FAE] =	sst s0  }
0x9: {  	[smem:$0x3FAF] =	sst s1  }
0xa: {  	[smem:$0x3FB0] =	sst s2  }
0xb: {  	[smem:$0x3FB1] =	sst s3  }
0xc: {  	[smem:$0x3FB2] =	sst s4  }
0xd: {  	[smem:$0x3FB3] =	sst s5  }
0xe: {  	[smem:$0x3FB4] =	sst s6  }
0xf: {  	[smem:$0x3FB5] =	sst s7  }
0x10: {  	[smem:$0x3FB6] =	sst s8  }
0x11: {  	[smem:$0x3FB7] =	sst s9;
	s0 =	simm.s32 @!p0 $0x0  }
0x12: {  	s1 =	sld [smem:$0x3F9D];
	s0 =	simm.s32 @p0 $0x1  }
0x13: {  	[smem:$0x3FB8] =	sst s0;
	s0 =	simm.s32 @!p1 $0x0  }
0x14: {  	s2 =	sld [smem:$0x3F9C];
	s0 =	simm.s32 @p1 $0x1  }
0x15: {  	[smem:$0x3FB9] =	sst s0;
	s0 =	simm.s32 @!p2 $0x0  }
0x16: {  	s3 =	sld [smem:$0x3FDB];
	s0 =	simm.s32 @p2 $0x1  }
0x17: {  	s4 =	simm.s32 $0x1BF5;
	[smem:$0x3FBB] =	sst s0  }
0x18: {  	s0 =	sld [smem:$0x3F9E];
	_ =	swait.ge [sflag:s4], $0x0  }
0x19: {  	s7 =	sld [smem:$0x3F9F]  }
0x1a: {  	s8 =	sadd.s32 $0xFFFFE003, lr  }
0x1b: {  	s9 =	sadd.s32 $0xFFFFFEF7, lr;
	s5 =	simm.s32 $0xFFFFFFFF;
	p2 =	slt.u32 s8, $0xFFFFF086  }
0x1c: {  	p1 =	slt.u32 s9, $0xF7A;
	s5 =	simm.s32 @!p2 $0x0  }
0x1d: {  	s5 =	simm.s32 @p1 $0x1;
	p0 =	seq.s32 s7, s2  }
0x1e: {  	s7 =	smul.u32 @!p0 $0xF7A, s2;
	p2 =	seq.s32 @!p0 s5, $0x0  }
0x1f: {  	s9 =	smul.u32 $0xF7A, s1;
	s8 =	simm.s32 @!p0 $0x1BF5;
	p2 =	por !p2, p0  }
0x20: {  	[sflag:s8] =	ssyncset.s32 @!p0 $0xFFFFF086;
	s6 =	sadd.s32 @!p0 s3, s7;
	s7 =	simm.s32 @!p0 $0x108  }
0x21: {  	s3 =	sadd.s32 s3, s9;
	s6 =	sadd.s32 @!p0 $0x88, s6;
	s7 =	simm.s32 @p2 $0x1082  }
0x22: {  	[simem:s7], [sflag:s8] =	dma.local @!p0 [hbm:s6], $0xF7A  }
0x23: {  	s9 =	sor.u32 $0xD0000000, s2;
	s6 =	simm.s32 $0x108;
	_ =	swait.ge @!p0 [sflag:s8], $0x0  }
0x24: {  	s3 =	sadd.s32 $0x88, s3;
	s6 =	simm.s32 @!p1 $0x1082;
	[sflag:s4] =	ssyncset.s32 $0xFFFFF086  }
0x25: {  	[simem:s6], [sflag:s4] =	dma.local [hbm:s3], $0xF7A  }
0x26: {  	[smem:$0x3F9F] =	sst s1;
	(tag) =	ssettag s2;
	_ =	strace s9  }
0x27: {  	s1 =	sld [smem:$0x3FAF]  }
0x28: {  	s2 =	sld [smem:$0x3FB0]  }
0x29: {  	s4 =	sld [smem:$0x3FB2]  }
0x2a: {  	p0 =	seq.s32 s5, $0x0;
	s5 =	sld [smem:$0x3FB3]  }
0x2b: {  	s6 =	sld [smem:$0x3FB4]  }
0x2c: {  	s7 =	sld [smem:$0x3FB5]  }
0x2d: {  	s3 =	simm.s32 $0x108;
	s8 =	sld [smem:$0x3FB6]  }
0x2e: {  	s3 =	simm.s32 @!p0 $0x1082;
	s9 =	sld [smem:$0x3FB7]  }
0x2f: {  	lr =	sadd.s32 s0, s3;
	s0 =	sld [smem:$0x3FAE]  }
0x30: {  	s3 =	sld [smem:$0x3FB1]  }
0x31: {  	[smem:$0x3FBA] =	sst s10  }
0x32: {  	s10 =	sld [smem:$0x3FB8];
	_ =	sdelay $0x3  }
0x33: {  	p0 =	seq.s32 s10, $0x1;
	s10 =	sld [smem:$0x3FBA];
	_ =	sdelay $0x3  }
0x34: {  	[smem:$0x3FBA] =	sst s10  }
0x35: {  	s10 =	sld [smem:$0x3FB9];
	_ =	sdelay $0x3  }
0x36: {  	p1 =	seq.s32 s10, $0x1;
	s10 =	sld [smem:$0x3FBA];
	_ =	sdelay $0x3  }
0x37: {  	[smem:$0x3FBA] =	sst s10  }
0x38: {  	s10 =	sld [smem:$0x3FBB]  }
0x39: {  	_ = 	snop;
	(pc) =	sbr.ind lr, $3  }
0x3a: {  	_ = 	snop  }
0x3b: {  	_ = 	snop  }
0x3c: {  	p2 =	seq.s32 s10, $0x1;
	s10 =	sld [smem:$0x3FBA]  }
0x3d: {  	_ =	shalt  }
0x3e: {  	_ =	shalt  }
0x3f: {  	_ =	shalt  }
0x40: {  	_ =	shalt  }
0x41: {  	_ =	shalt  }
0x42: {  	_ =	shalt  }
0x43: {  	_ =	shalt  }
0x44: {  	_ =	shalt  }
0x45: {  	_ =	shalt  }
0x46: {  	_ =	shalt  }
0x47: {  	_ =	shalt  }
0x48: {  	_ =	shalt  }
0x49: {  	_ =	shalt  }
0x4a: {  	_ =	shalt  }
0x4b: {  	_ =	shalt  }
0x4c: {  	_ =	shalt  }
0x4d: {  	_ =	shalt  }
0x4e: {  	_ =	shalt  }
0x4f: {  	_ =	shalt  }
0x50: {  	_ =	shalt  }
0x51: {  	_ =	shalt  }
0x52: {  	_ =	shalt  }
0x53: {  	_ =	shalt  }
0x54: {  	_ =	shalt  }
0x55: {  	_ =	shalt  }
0x56: {  	_ =	shalt  }
0x57: {  	_ =	shalt  }
0x58: {  	_ =	shalt  }
0x59: {  	_ =	shalt  }
0x5a: {  	_ =	shalt  }
0x5b: {  	_ =	shalt  }
0x5c: {  	_ =	shalt  }
0x5d: {  	_ =	shalt  }
0x5e: {  	_ =	shalt  }
0x5f: {  	_ =	shalt  }
0x60: {  	_ =	shalt  }
0x61: {  	_ =	shalt  }
0x62: {  	_ =	shalt  }
0x63: {  	_ =	shalt  }
0x64: {  	_ =	shalt  }
0x65: {  	_ =	shalt  }
0x66: {  	_ =	shalt  }
0x67: {  	_ =	shalt  }
0x68: {  	_ =	shalt  }
0x69: {  	_ =	shalt  }
0x6a: {  	_ =	shalt  }
0x6b: {  	_ =	shalt  }
0x6c: {  	_ =	shalt  }
0x6d: {  	_ =	shalt  }
0x6e: {  	_ =	shalt  }
0x6f: {  	_ =	shalt  }
0x70: {  	_ =	shalt  }
0x71: {  	_ =	shalt  }
0x72: {  	_ =	shalt  }
0x73: {  	_ =	shalt  }
0x74: {  	_ =	shalt  }
0x75: {  	_ =	shalt  }
0x76: {  	_ =	shalt  }
0x77: {  	_ =	shalt  }
0x78: {  	_ =	shalt  }
0x79: {  	_ =	shalt  }
0x7a: {  	_ =	shalt  }
0x7b: {  	_ =	shalt  }
0x7c: {  	_ =	shalt  }
0x7d: {  	_ =	shalt  }
0x7e: {  	_ =	shalt  }
0x7f: {  	_ =	shalt  }
0x80: {  	_ =	shalt  }
0x81: {  	_ =	shalt  }
0x82: {  	_ =	shalt  }
0x83: {  	_ =	shalt  }
0x84: {  	_ =	shalt  }
0x85: {  	_ =	shalt  }
0x86: {  	_ =	shalt  }
0x87: {  	_ =	shalt  }
.Lfunc_end0:
.L_simem_size_0:
called_computation_lowered:
.L_overlay_start_0:
0x88: {  	s2 =	sld [smem:$0x3FD9]  }
0x89: {  	s3 =	sld [smem:$0x3FFE];
	_ =	sdelay $0x1  }
0x8a: {  	s1 =	srdreg.scid  }
0x8b: {  	s0 =	sand.u32 $0x1, s1  }
0x8c: {  	s17 =	sshll.u32 s0, $0xA;
	s2 =	sadd.s32 s3, s2  }
0x8d: {  	s2 =	sadd.s32 s2, s17  }
0x8e: {  	[smem:$0x3FC6] =	sst s2  }
0x8f: {  	_ = 	snop  }
0x90: {  	s2 =	sld [smem:$0x3FD0];
	(tm) =	ssettm $0x1  }
0x91: {  	s18 =	sld [smem:$0x3FFB];
	_ =	sdelay $0x3  }
0x92: {  	_ =	strace s18  }
0x93: {  	s3 =	sld [smem:$0x3FFC];
	_ =	sdelay $0x3  }
0x94: {  	_ =	strace s3  }
0x95: {  	s3 =	sld [smem:$0x3FFD];
	_ =	sdelay $0x3  }
0x96: {  	_ =	strace s3  }
0x97: {  	_ =	strace $0x8FFFFFFF  }
0x98: {  	s19 =	sld [smem:$0x3FDB];
	_ =	sdelay $0x1  }
0x99: {  	s4 =	simm.s32 $_scs_section_size  }
0x9a: {  	s5 =	simm.s32 $_size__tile_overlayer_lowered;
	s6 =	simm.s32 $_tile_overlayer_lowered  }
0x9b: {  	s22 =	simm.s32 $0x1BFF;
	s21 =	sshll.u32 s6, $0x1;
	s3 =	sadd.s32 s4, s19  }
0x9c: {  	s7 =	simm.s32 $0x0;
	s20 =	sshll.u32 s5, $0x1;
	s5 =	sadd.s32 s21, s3  }
0x9d: {  	[timem:s7], [sflag:s22] =	dma.local [hbm:s5], s20  }
0x9e: {  	_ =	swait.ge [sflag:s22], s20  }
0x9f: {  	s4 =	ssub.s32 $0x0, s20;
	[sflag:s22] =	ssyncset.done $0x0  }
0xa0: {  	[sflag:s22] =	ssyncadd.s32 s4;
	_ =	sdelay $0x1  }
0xa1: {  	s23 =	simm.s32 $0x1B8B  }
0xa2: {  	_ =	swait.ge [sflag:s23], $0x1  }
0xa3: {  	[sflag:s23] =	ssyncset.done $0x0  }
0xa4: {  	s25 =	simm.s32 $0x1B8E;
	s24 =	sld [smem:$0x3FFE];
	[sflag:s23] =	ssyncadd.s32 $0xFFFFFFFF  }
0xa5: {  	s26 =	simm.s32 $execute0_lowered;
	[smem:$0x3FD2] =	sst s25  }
0xa6: {  	s5 =	sshll.u32 s26, $0x1;
	_ =	strace $0x80000046;
	[dreg:$0x1] =	wrdreg $0xFFFFFFFF  }
0xa7: {  	s28 =	simm.s32 $_size_execute0_lowered;
	s3 =	sadd.s32 s3, s5;
	[dreg:$0x0] =	wrdreg $0x0  }
0xa8: {  	s5 =	sshll.u32 s28, $0x1;
	[dreg:$0x2] =	wrdreg s3  }
0xa9: {  	[dreg:$0x3] =	wrdreg s5  }
0xaa: {  	[dreg:$0x4] =	wrdreg $0xC0  }
0xab: {  	_ =	task [dreg:s7], $0x5FFFF  }
0xac: {  	[dreg:$0x1] =	wrdreg $0xFFFFFFFF  }
0xad: {  	[dreg:$0x0] =	wrdreg $0x60  }
0xae: {  	[dreg:$0x2] =	wrdreg s24  }
0xaf: {  	[dreg:$0x3] =	wrdreg s2  }
0xb0: {  	[dreg:$0x4] =	wrdreg $0x9  }
0xb1: {  	_ =	task.clear_ibuf [dreg:s7], $0x5FFFF;
	_ =	strace $0x90000046  }
0xb2: {  	s29 =	simm.s32 $0x9;
	_ =	strace $0x80000048  }
0xb3: {  	_ =	swait.ge [sflag:s29], $0x1  }
0xb4: {  	[sflag:s29] =	ssyncadd.s32 $0xFFFFFFFF  }
0xb5: {  	_ =	strace $0x90000048  }
0xb6: {  	_ =	sfence  }
0xb7: {  	s30 =	sld [smem:$0x0];
	_ =	sdelay $0x2  }
0xb8: {  	s31 =	sshll.u32 s1, $0xD;
	s1 =	sshrl.u32 s1, $0x2  }
0xb9: {  	s3 =	sand.u32 $0x4000, s31;
	s1 =	sadd.s32 s1, s30  }
0xba: {  	s0 =	sor.u32 s3, s0;
	s1 =	sshll.u32 s1, $0x11  }
0xbb: {  	s0 =	sor.u32 s1, s0  }
0xbc: {  	s0 =	sadd.s32 $0x8F2B, s0  }
0xbd: {  	[sflag:s0] =	ssyncadd.remote.s32 $0x1  }
0xbe: {  	_ =	sfence.sel $0xFFFF  }
0xbf: {  	[dreg:$0x0] =	wrdreg $0xFFFFFFFF;
	(pc) =	sbr.abs _section_cstart, $3  }
0xc0: {  	[dreg:$0x1] =	wrdreg $0xFFFFFFFF  }
0xc1: {  	_ =	task.clear_ibuf [dreg:s7], $0x2FFFF;
	_ =	strace $0x9FFFFFFF  }
0xc2: {  	(tm) =	ssettm $0x7FFFFFFF  }
0xc3: {  	_ =	shalt  }
tec
execute0_lowered:
.L_overlay_start_1:
0x0: {  	(tag) =	ssettag $0x1  }
0x1: {  	s5 =	rddreg [dreg:$0x0]  }
0x2: {  	s6 =	rddreg [dreg:$0x1]  }
0x3: {  	s0 =	rddreg [dreg:$0x2]  }
0x4: {  	s2 =	simm.s32 $0x0;
	s3 =	srdreg.scid;
	s1 =	stileid.u32  }
0x5: {  	s11 =	simm.s32 $0x1;
	s12 =	simm.s32 $0x1300;
	s13 =	simm.s32 $0x0  }
0x6: {  	[smem:$0x7FF] =	sst s2;
	s3 =	sand.u32 $0x1, s3;
	s4 =	sshll.u32 s1, $0xA  }
0x7: {  	_ =	strace $0x80000047;
	s7 =	sshll.u32 s3, $0x9;
	s8 =	ssub.s32 $0x2, s3  }
0x8: {  	s3 =	sadd.s32 $0x600, s5;
	s7 =	sor.u32 s7, s4;
	s9 =	sshrl.u32 s8, $0x1  }
0x9: {  	s4 =	sadd.s32 $0x400, s5;
	s10 =	sadd.s32 s7, s5;
	s8 =	ssub.s32 s8, s9  }
0xa: {  	s5 =	sadd.s32 s6, s7;
	s9 =	simm.s32 $0x300;
	s6 =	sadd.s32 $0x800, s10  }
0xb: {  	s7 =	smax.u32 s8, $0x1;
	s8 =	simm.s32 $0x100;
	s10 =	simm.s32 $0x2  }
.LBB2_1:
0xc: {  	[tilespmem:s2], [sflag:$0x1] =	stream.linear.gather [hbm4b:s3+s2], $0x100, $0x38;
	[tilespmem:$0x2300] =	vst v63  }
0xd: {  	_ = 	snop  }
0xe: {  	[tilespmem:s8], [sflag:$0x1] =	stream.linear.gather [hbm4b:s4+s2], $0x200, $0x38;
	[tilespmem:$0x2300] =	vst v63  }
0xf: {  	_ = 	snop  }
0x10: {  	[tilespmem:s9], [sflag:$0x2] =	stream.linear.gather [hbm4b:s5+s2], $0x1000, $0x38;
	[tilespmem:$0x2300] =	vst v63  }
0x11: {  	_ =	swait.ge [sflag:s10], $0x1000  }
0x12: {  	[sflag:s10] =	ssyncset.done $0x0  }
0x13: {  	[sflag:s10] =	ssyncadd.s32 $0xFFFFF000  }
0x14: {  	_ =	swait.ge [sflag:s11], $0x100  }
0x15: {  	[sflag:s11] =	ssyncset.done $0x0  }
0x16: {  	[sflag:s11] =	ssyncadd.s32 $0xFFFFFF00  }
0x17: {  	_ =	swait.ge [sflag:s11], $0x200  }
0x18: {  	[sflag:s11] =	ssyncset.done $0x0  }
0x19: {  	s14 =	simm.s32 $0x0;
	[sflag:s11] =	ssyncadd.s32 $0xFFFFFE00  }
0x1a: {  	v0 =	vld [tilespmem:s14+$0x300];
	_ =	sdelay $0x4  }
0x1b: {  	v1 =	vshra.s32 v0, $0x8  }
0x1c: {  	v0 =	vand.u32 $0x1FF, v0;
	_ =	sdelay $0x1  }
0x1d: {  	v2 =	vld [tilespmem:s14+$0x310];
	_ =	sdelay $0x1  }
0x1e: {  	v1 =	vld.idx.msk [tilespmem:v1+s2+$0x0], $0xffff  }
0x1f: {  	v0 =	vld.idx.msk [tilespmem:v0+s8+$0x0], $0xffff;
	_ =	sdelay $0x1  }
0x20: {  	v3 =	vshra.s32 v2, $0x8  }
0x21: {  	v2 =	vand.u32 $0x1FF, v2;
	_ =	sdelay $0x1  }
0x22: {  	v4 =	vld [tilespmem:s14+$0x320];
	v0 =	vor.u32 v1, v0  }
0x23: {  	[tilespmem:s14+$0x1300] =	vst v0  }
0x24: {  	v0 =	vld.idx.msk [tilespmem:v3+s2+$0x0], $0xffff  }
0x25: {  	v1 =	vld.idx.msk [tilespmem:v2+s8+$0x0], $0xffff;
	_ =	sdelay $0x1  }
0x26: {  	v2 =	vshra.s32 v4, $0x8  }
0x27: {  	v3 =	vand.u32 $0x1FF, v4;
	_ =	sdelay $0x1  }
0x28: {  	v5 =	vld [tilespmem:s14+$0x330];
	v0 =	vor.u32 v0, v1  }
0x29: {  	[tilespmem:s14+$0x1310] =	vst v0  }
0x2a: {  	v0 =	vld.idx.msk [tilespmem:v2+s2+$0x0], $0xffff  }
0x2b: {  	v1 =	vld.idx.msk [tilespmem:v3+s8+$0x0], $0xffff;
	_ =	sdelay $0x1  }
0x2c: {  	v2 =	vshra.s32 v5, $0x8  }
0x2d: {  	v3 =	vand.u32 $0x1FF, v5;
	_ =	sdelay $0x1  }
0x2e: {  	s16 =	simm.s32 $0x40;
	v0 =	vor.u32 v0, v1  }
0x2f: {  	v4 =	vld [tilespmem:s16+$0x300];
	[tilespmem:s14+$0x1320] =	vst v0  }
0x30: {  	v2 =	vld.idx.msk [tilespmem:v2+s2+$0x0], $0xffff  }
0x31: {  	v3 =	vld.idx.msk [tilespmem:v3+s8+$0x0], $0xffff  }
0x32: {  	v1 =	vld [tilespmem:s16+$0x310]  }
0x33: {  	s15 =	simm.s32 $0x200;
	v0 =	vld [tilespmem:s16+$0x320]  }
.LBB2_2:
0x34: {  	p0 =	sne.s32 s15, $0x3F00;
	v5 =	vshra.s32 v4, $0x8;
	v4 =	vand.u32 $0x1FF, v4;
	v6 =	vld [tilespmem:s16+$0x330];
	s17 =	smov.u32 s15;
	s15 =	sadd.s32 $0x100, s15  }
0x35: {  	_ =	sdelay $0x1  }
0x36: {  	v2 =	vor.u32 v2, v3  }
0x37: {  	[tilespmem:s14+$0x1330] =	vst v2;
	s14 =	smov.u32 s16  }
0x38: {  	v2 =	vld.idx.msk [tilespmem:v5+s2+$0x0], $0xffff  }
0x39: {  	v3 =	vld.idx.msk [tilespmem:v4+s8+$0x0], $0xffff;
	_ =	sdelay $0x2  }
0x3a: {  	v4 =	vshra.s32 v1, $0x8;
	v1 =	vand.u32 $0x1FF, v1;
	_ =	sdelay $0x2  }
0x3b: {  	v2 =	vor.u32 v2, v3  }
0x3c: {  	[tilespmem:s14+$0x1300] =	vst v2  }
0x3d: {  	v2 =	vld.idx.msk [tilespmem:v4+s2+$0x0], $0xffff  }
0x3e: {  	v1 =	vld.idx.msk [tilespmem:v1+s8+$0x0], $0xffff;
	_ =	sdelay $0x2  }
0x3f: {  	v3 =	vshra.s32 v0, $0x8;
	v0 =	vand.u32 $0x1FF, v0;
	_ =	sdelay $0x2  }
0x40: {  	v1 =	vor.u32 v2, v1  }
0x41: {  	[tilespmem:s14+$0x1310] =	vst v1  }
0x42: {  	v1 =	vld.idx.msk [tilespmem:v3+s2+$0x0], $0xffff  }
0x43: {  	v0 =	vld.idx.msk [tilespmem:v0+s8+$0x0], $0xffff;
	_ =	sdelay $0x2  }
0x44: {  	v2 =	vshra.s32 v6, $0x8;
	v3 =	vand.u32 $0x1FF, v6;
	_ =	sdelay $0x2  }
0x45: {  	s16 =	sshra.s32 s17, $0x2;
	v0 =	vor.u32 v1, v0  }
.Ltmp0:
0x46: {  	v4 =	vld [tilespmem:s16+$0x300];
	[tilespmem:s14+$0x1320] =	vst v0;
	(pc) =	sbr.rel @p0 .LBB2_2-.Ltmp0, $4  }
0x47: {  	v2 =	vld.idx.msk [tilespmem:v2+s2+$0x0], $0xffff  }
0x48: {  	v3 =	vld.idx.msk [tilespmem:v3+s8+$0x0], $0xffff  }
0x49: {  	v1 =	vld [tilespmem:s16+$0x310]  }
0x4a: {  	v0 =	vld [tilespmem:s16+$0x320]  }
0x4b: {  	v5 =	vshra.s32 v4, $0x8  }
0x4c: {  	v55 =	vand.u32 $0x1FF, v4;
	_ =	sdelay $0x1  }
0x4d: {  	v2 =	vor.u32 v2, v3  }
0x4e: {  	v6 =	vld [tilespmem:s16+$0x330];
	[tilespmem:s14+$0x1330] =	vst v2  }
0x4f: {  	v2 =	vld.idx.msk [tilespmem:v5+s2+$0x0], $0xffff  }
0x50: {  	v56 =	vld.idx.msk [tilespmem:v55+s8+$0x0], $0xffff;
	_ =	sdelay $0x1  }
0x51: {  	v57 =	vshra.s32 v1, $0x8  }
0x52: {  	v58 =	vand.u32 $0x1FF, v1;
	_ =	sdelay $0x1  }
0x53: {  	v2 =	vor.u32 v2, v56  }
0x54: {  	[tilespmem:s16+$0x1300] =	vst v2  }
0x55: {  	v2 =	vld.idx.msk [tilespmem:v57+s2+$0x0], $0xffff  }
0x56: {  	v1 =	vld.idx.msk [tilespmem:v58+s8+$0x0], $0xffff;
	_ =	sdelay $0x1  }
0x57: {  	v59 =	vshra.s32 v0, $0x8  }
0x58: {  	v60 =	vand.u32 $0x1FF, v0;
	_ =	sdelay $0x1  }
0x59: {  	v1 =	vor.u32 v2, v1  }
0x5a: {  	[tilespmem:s16+$0x1310] =	vst v1  }
0x5b: {  	v1 =	vld.idx.msk [tilespmem:v59+s2+$0x0], $0xffff  }
0x5c: {  	v0 =	vld.idx.msk [tilespmem:v60+s8+$0x0], $0xffff;
	_ =	sdelay $0x1  }
0x5d: {  	v61 =	vshra.s32 v6, $0x8  }
0x5e: {  	v62 =	vand.u32 $0x1FF, v6;
	_ =	sdelay $0x1  }
0x5f: {  	v0 =	vor.u32 v1, v0  }
0x60: {  	[tilespmem:s16+$0x1320] =	vst v0  }
0x61: {  	v0 =	vld.idx.msk [tilespmem:v61+s2+$0x0], $0xffff  }
0x62: {  	v63 =	vld.idx.msk [tilespmem:v62+s8+$0x0], $0xffff;
	_ =	sdelay $0x3  }
0x63: {  	s13 =	sadd.s32 $0x1, s13  }
0x64: {  	p0 =	sne.s32 s13, s7;
	v0 =	vor.u32 v0, v63  }
.Ltmp1:
0x65: {  	[tilespmem:s16+$0x1330] =	vst v0;
	(pc) =	sbr.rel @p0 .LBB2_1-.Ltmp1, $4  }
0x66: {  	[hbm4b:s6+s2] =	stream.linear.scatter [tilespmem:s12], [sflag:$0x2], $0x1000, $0x38;
	[tilespmem:$0x2300] =	vst v63  }
0x67: {  	_ =	swait.ge [sflag:s10], $0x1000  }
0x68: {  	[sflag:s10] =	ssyncset.done $0x0  }
0x69: {  	[sflag:s10] =	ssyncadd.s32 $0xFFFFF000  }
0x6a: {  	_ =	sfence.sel $0x180000  }
0x6b: {  	[bflag:$0x0] =	sbarrier.arrive $0xFFFF  }
0x6c: {  	p0 =	sne.s32 s1, $0x0;
	_ =	strace $0x90000047  }
0x6d: {  	s0 =	sadd.s32 @!p0 $0x100000, s0;
	[bflag:$0x2] =	sbarrier.arrive $0xFFFF  }
0x6e: {  	[sflag:s0] =	ssyncadd.tile.s32 @!p0 $0x1;
	_ =	shalt  }
.Lfunc_end2:
_tile_overlayer_lowered:
.L_overlay_start_2:
0x6f: {  	(tag) =	ssettag $0x2  }
0x70: {  	s0 =	rddreg [dreg:$0x0];
	s2 =	stileid.u32  }
0x71: {  	s1 =	rddreg [dreg:$0x1];
	p0 =	sne.s32 s2, $0x0  }
0x72: {  	s3 =	rddreg [dreg:$0x2];
	[bflag:$0x3] =	sbarrier.arrive $0xFFFF;
	s2 =	simm.s32 @!p0 $0x1C02  }
0x73: {  	[timem:s3], [sflag:s2] =	dma.local @!p0 [hbm:s0], s1  }
0x74: {  	s0 =	simm.s32 @!p0 $0x2  }
0x75: {  	_ =	swait.ge @!p0 [sflag:s0], s1  }
0x76: {  	s1 =	ssub.s32 @!p0 $0x0, s1;
	[sflag:s0] =	ssyncset.done @!p0 $0x0  }
0x77: {  	[sflag:s0] =	ssyncadd.s32 @!p0 s1  }
0x78: {  	[bflag:$0x3] =	sbarrier.arrive $0xFFFF  }
0x79: {  	_ =	shalt  }

</sc_bundles>
